<compile_context>
chip_gen: v7x
topology: tpu7x:2x2x1
jax: 0.10.2.dev20260603
libtpu: 0.0.44.dev20260713+nightly
codegen_flags: <defaults>
</compile_context>

<pallas_src>
import functools
import math

import jax
import jax.numpy as jnp
from jax import lax
from jax.experimental import pallas as pl
from jax.experimental.pallas import tpu as pltpu
from jax.experimental.pallas import tpu_sc as plsc

_NC = 2
_NS = 16
_NW = _NC * _NS
_L = 16
_CHUNK = 1024


def _emb_body(n_w, n_chunks, d, scale,
              idx_hbm, table_hbm, out_hbm, idx_v, rows_v, sem):
    wid = lax.axis_index("s") * _NC + lax.axis_index("c")
    base = wid * n_w

    def chunk_body(ci, _):
        off = base + ci * _CHUNK
        pltpu.sync_copy(idx_hbm.at[pl.ds(off, _CHUNK)], idx_v)
        pltpu.async_copy(table_hbm.at[idx_v], rows_v, sem).wait()

        def scale_body(i, _):
            r = i * 8
            for j in range(8):
                for h in range(d // _L):
                    sl = pl.ds(h * _L, _L)
                    rows_v[r + j, sl] = rows_v[r + j, sl] * scale
            return 0

        lax.fori_loop(0, _CHUNK // 8, scale_body, 0)
        pltpu.sync_copy(rows_v, out_hbm.at[pl.ds(off, _CHUNK)])
        return 0

    lax.fori_loop(0, n_chunks, chunk_body, 0)


def kernel(x, table):
    b, l = x.shape
    v, d = table.shape
    n = b * l
    n_w = n // _NW
    n_chunks = n_w // _CHUNK
    scale = jnp.float32(math.sqrt(float(d)))

    idx_flat = x.reshape(n).astype(jnp.int32)
    mesh = plsc.VectorSubcoreMesh(core_axis_name="c", subcore_axis_name="s")

    run = functools.partial(
        pl.kernel,
        mesh=mesh,
        out_type=jax.ShapeDtypeStruct((n, d), jnp.float32),
        scratch_types=[
            pltpu.VMEM((_CHUNK,), jnp.int32),
            pltpu.VMEM((_CHUNK, d), jnp.float32),
            pltpu.SemaphoreType.DMA,
        ],
        compiler_params=pltpu.CompilerParams(use_tc_tiling_on_sc=False),
    )(functools.partial(_emb_body, n_w, n_chunks, d, scale))

    out = run(idx_flat, table)
    return out.reshape(b, l, d)

# --- scband reference (transcript-rebuilt; emitter-appended) ---
"""Pipeline reference for scband-embed-11854109737159 (READ-ONLY COPY).

The authoritative reference and input builder live on the scoring server;
editing this copy changes nothing except your own understanding.
"""

import jax, jax.numpy as jnp
import numpy as np

VOCAB = 1000000
HID = 32
B = 16384
L = 200

def setup_inputs(seed: int = 0) -> dict:
    key = jax.random.key(seed)
    k1, k2 = jax.random.split(key)
    x = jax.random.randint(k1, (B, L), 0, VOCAB, dtype=jnp.int64) if jax.config.jax_enable_x64 else jax.random.randint(k1, (B, L), 0, VOCAB, dtype=jnp.int32)
    table = jax.random.normal(k2, (VOCAB, HID), dtype=jnp.float32)
    return {"x": x, "table": table}

def reference(x, table):
    scale = jnp.sqrt(jnp.array([HID], dtype=jnp.float32))
    emb = jnp.take(table, x, axis=0)
    return scale * emb

if __name__ == "__main__":
    import jax
    _d = setup_inputs()
    print(jax.jit(kernel)(*tuple(_d.values())))

</pallas_src>

<mosaic_0001>
#map = affine_map<(d0, d1) -> (0)>
#map1 = affine_map<(d0, d1) -> (0, 0)>
module attributes {stable_mosaic.version = 14 : i64} {
  func.func @_rewritten_body(%arg0: i32, %arg1: i32, %arg2: memref<3276800xi32, #tpu.memory_space<hbm>>, %arg3: memref<1000000x32xf32, #tpu.memory_space<hbm>>, %arg4: memref<1xf32, #tpu.memory_space<hbm>>, %arg5: memref<3276800x32xf32, #tpu.memory_space<hbm>>, %arg6: memref<1024xi32, #tpu.memory_space<vmem>>, %arg7: memref<1024x32xf32, #tpu.memory_space<vmem>>, %arg8: memref<!tpu.dma_semaphore, #tpu.memory_space<semaphore_mem>>) attributes {dimension_semantics = [#tpu.dimension_semantics<core_parallel>, #tpu.dimension_semantics<subcore_parallel>], iteration_bounds = array<i64: 2, 16>, scalar_prefetch = 0 : i64, scratch_operands = 3 : i64, tpu.core_type = #tpu.core_type<sc_vector_subcore>, window_params = [{transform_indices = #map}, {transform_indices = #map1}, {transform_indices = #map}, {transform_indices = #map1}]} {
    %empty_ref3A = memref.alloca() : memref<16xf32, #tpu.memory_space<vmem>>
    "tpu.region"() ({
      %run_scoped3A = tpu.sem_alloc : memref<!tpu.dma_semaphore, #tpu.memory_space<semaphore_mem>>
      %dma_start3A = arith.constant 0 : i32
      %dma_start3A_11 = tpu.memref_slice %empty_ref3A[%dma_start3A] : memref<16xf32, #tpu.memory_space<vmem>> -> memref<1xf32, #tpu.memory_space<vmem>>
      %dma_start3A_12 = arith.constant 0 : i32
      %dma_start3A_13 = tpu.memref_slice %empty_ref3A[%dma_start3A_12] : memref<16xf32, #tpu.memory_space<vmem>> -> memref<1xf32, #tpu.memory_space<vmem>>
      tpu.enqueue_dma source(%arg4 : memref<1xf32, #tpu.memory_space<hbm>>) target(%dma_start3A_13 : memref<1xf32, #tpu.memory_space<vmem>>) target_semaphore(%run_scoped3A : memref<!tpu.dma_semaphore, #tpu.memory_space<semaphore_mem>>)
      %dma_wait3A = arith.constant 0 : i32
      %dma_wait3A_14 = tpu.memref_slice %empty_ref3A[%dma_wait3A] : memref<16xf32, #tpu.memory_space<vmem>> -> memref<1xf32, #tpu.memory_space<vmem>>
      %dma_wait3A_15 = arith.constant 0 : i32
      %dma_wait3A_16 = tpu.memref_slice %empty_ref3A[%dma_wait3A_15] : memref<16xf32, #tpu.memory_space<vmem>> -> memref<1xf32, #tpu.memory_space<vmem>>
      tpu.wait_dma2 semaphore(%run_scoped3A : memref<!tpu.dma_semaphore, #tpu.memory_space<semaphore_mem>>) src(%arg4 : memref<1xf32, #tpu.memory_space<hbm>>) dst(%dma_wait3A_16 : memref<1xf32, #tpu.memory_space<vmem>>)
      tpu.yield
    }) : () -> ()
    %get3A = arith.constant 0 : index
    %get3A_0 = tpu.vector_load %empty_ref3A[%get3A] {strides = array<i32>} : memref<16xf32, #tpu.memory_space<vmem>>, vector<16xf32>,
    %get3A_1 = vector.shape_cast %get3A_0 : vector<16xf32> to vector<16xf32>
    %slice3A = vector.extract_strided_slice %get3A_1 {offsets = [0], sizes = [1], strides = [1]} : vector<16xf32> to vector<1xf32>
    %squeeze3A = vector.extract %slice3A[0] : f32 from vector<1xf32>
    %mul3A = arith.constant 2 : i32
    %mul3A_2 = arith.muli %arg1, %mul3A : i32
    %add3A = arith.addi %mul3A_2, %arg0 : i32
    %mul3A_3 = arith.constant 102400 : i32
    %mul3A_4 = arith.muli %add3A, %mul3A_3 : i32
    %scan3A = arith.constant 0 : i32
    %scan3A_5 = arith.constant 0 : i32
    %scan3A_6 = arith.constant 100 : i32
    %scan3A_7 = arith.addi %scan3A_5, %scan3A_6 : i32
    %scan3A_8 = arith.constant 1 : i32
    %scan3A_9 = scf.for %scan3A_11 = %scan3A_5 to %scan3A_7 step %scan3A_8 iter_args(%scan3A_12 = %scan3A) -> (i32)  : i32 {
      %mul3A_13 = arith.constant 1024 : i32
      %mul3A_14 = arith.muli %scan3A_11, %mul3A_13 : i32
      %add3A_15 = arith.addi %mul3A_4, %mul3A_14 : i32
      "tpu.region"() ({
        %run_scoped3A = tpu.sem_alloc : memref<!tpu.dma_semaphore, #tpu.memory_space<semaphore_mem>>
        %dma_start3A_28 = tpu.memref_slice %arg2[%add3A_15] : memref<3276800xi32, #tpu.memory_space<hbm>> -> memref<1024xi32, #tpu.memory_space<hbm>>
        %dma_start3A_29 = tpu.memref_slice %arg2[%add3A_15] : memref<3276800xi32, #tpu.memory_space<hbm>> -> memref<1024xi32, #tpu.memory_space<hbm>>
        tpu.enqueue_dma source(%dma_start3A_29 : memref<1024xi32, #tpu.memory_space<hbm>>) target(%arg6 : memref<1024xi32, #tpu.memory_space<vmem>>) target_semaphore(%run_scoped3A : memref<!tpu.dma_semaphore, #tpu.memory_space<semaphore_mem>>)
        %dma_wait3A_30 = tpu.memref_slice %arg2[%add3A_15] : memref<3276800xi32, #tpu.memory_space<hbm>> -> memref<1024xi32, #tpu.memory_space<hbm>>
        %dma_wait3A_31 = tpu.memref_slice %arg2[%add3A_15] : memref<3276800xi32, #tpu.memory_space<hbm>> -> memref<1024xi32, #tpu.memory_space<hbm>>
        tpu.wait_dma2 semaphore(%run_scoped3A : memref<!tpu.dma_semaphore, #tpu.memory_space<semaphore_mem>>) src(%dma_wait3A_31 : memref<1024xi32, #tpu.memory_space<hbm>>) dst(%arg6 : memref<1024xi32, #tpu.memory_space<vmem>>)
        tpu.yield
      }) : () -> ()
      %dma_start3A = arith.constant 0 : i32
      %dma_start3A_16 = arith.constant 0 : i32
      %dma_start3A_17 = tpu.memref_slice %arg3[%dma_start3A, %dma_start3A_16] : memref<1000000x32xf32, #tpu.memory_space<hbm>> -> memref<1000000x32xf32, #tpu.memory_space<hbm>>
      tpu.enqueue_indirect_dma source(%dma_start3A_17 : memref<1000000x32xf32, #tpu.memory_space<hbm>>) target(%arg7 : memref<1024x32xf32, #tpu.memory_space<vmem>>) offsets(%arg6 : memref<1024xi32, #tpu.memory_space<vmem>>) semaphore(%arg8 : memref<!tpu.dma_semaphore, #tpu.memory_space<semaphore_mem>>)
      %dma_wait3A = arith.constant 0 : i32
      %dma_wait3A_18 = arith.constant 0 : i32
      %dma_wait3A_19 = tpu.memref_slice %arg3[%dma_wait3A, %dma_wait3A_18] : memref<1000000x32xf32, #tpu.memory_space<hbm>> -> memref<1000000x32xf32, #tpu.memory_space<hbm>>
      tpu.wait_indirect_dma semaphore(%arg8 : memref<!tpu.dma_semaphore, #tpu.memory_space<semaphore_mem>>) src(%dma_wait3A_19 : memref<1000000x32xf32, #tpu.memory_space<hbm>>) dst(%arg7 : memref<1024x32xf32, #tpu.memory_space<vmem>>)
      %scan3A_20 = arith.constant 0 : i32
      %scan3A_21 = arith.constant 0 : i32
      %scan3A_22 = arith.constant 128 : i32
      %scan3A_23 = arith.addi %scan3A_21, %scan3A_22 : i32
      %scan3A_24 = arith.constant 1 : i32
      %scan3A_25 = scf.for %scan3A_28 = %scan3A_21 to %scan3A_23 step %scan3A_24 iter_args(%scan3A_29 = %scan3A_20) -> (i32)  : i32 {
        %mul3A_30 = arith.constant 8 : i32
        %mul3A_31 = arith.muli %scan3A_28, %mul3A_30 : i32
        %add3A_32 = arith.constant 0 : i32
        %add3A_33 = arith.addi %mul3A_31, %add3A_32 : i32
        %get3A_34 = arith.index_cast %add3A_33 : i32 to index
        %get3A_35 = arith.constant 0 : index
        %get3A_36 = tpu.vector_load %arg7[%get3A_34, %get3A_35] {strides = array<i32>} : memref<1024x32xf32, #tpu.memory_space<vmem>>, vector<1x16xf32>,
        %get3A_37 = vector.shape_cast %get3A_36 : vector<1x16xf32> to vector<16xf32>
        %mul3A_38 = vector.broadcast %squeeze3A : f32 to vector<16xf32>
        %mul3A_39 = arith.mulf %get3A_37, %mul3A_38 : vector<16xf32>
        %add3A_40 = arith.constant 0 : i32
        %add3A_41 = arith.addi %mul3A_31, %add3A_40 : i32
        %swap3A = arith.index_cast %add3A_41 : i32 to index
        %swap3A_42 = arith.constant 0 : index
        %swap3A_43 = tpu.vector_load %arg7[%swap3A, %swap3A_42] {strides = array<i32>} : memref<1024x32xf32, #tpu.memory_space<vmem>>, vector<1x16xf32>,
        %swap3A_44 = vector.shape_cast %swap3A_43 : vector<1x16xf32> to vector<16xf32>
        %swap3A_45 = vector.shape_cast %mul3A_39 : vector<16xf32> to vector<1x16xf32>
        tpu.vector_store %arg7[%swap3A, %swap3A_42], %swap3A_45 {strides = array<i32>} : memref<1024x32xf32, #tpu.memory_space<vmem>>, vector<1x16xf32>,
        %add3A_46 = arith.constant 0 : i32
        %add3A_47 = arith.addi %mul3A_31, %add3A_46 : i32
        %get3A_48 = arith.index_cast %add3A_47 : i32 to index
        %get3A_49 = arith.constant 16 : index
        %get3A_50 = tpu.vector_load %arg7[%get3A_48, %get3A_49] {strides = array<i32>} : memref<1024x32xf32, #tpu.memory_space<vmem>>, vector<1x16xf32>,
        %get3A_51 = vector.shape_cast %get3A_50 : vector<1x16xf32> to vector<16xf32>
        %mul3A_52 = vector.broadcast %squeeze3A : f32 to vector<16xf32>
        %mul3A_53 = arith.mulf %get3A_51, %mul3A_52 : vector<16xf32>
        %add3A_54 = arith.constant 0 : i32
        %add3A_55 = arith.addi %mul3A_31, %add3A_54 : i32
        %swap3A_56 = arith.index_cast %add3A_55 : i32 to index
        %swap3A_57 = arith.constant 16 : index
        %swap3A_58 = tpu.vector_load %arg7[%swap3A_56, %swap3A_57] {strides = array<i32>} : memref<1024x32xf32, #tpu.memory_space<vmem>>, vector<1x16xf32>,
        %swap3A_59 = vector.shape_cast %swap3A_58 : vector<1x16xf32> to vector<16xf32>
        %swap3A_60 = vector.shape_cast %mul3A_53 : vector<16xf32> to vector<1x16xf32>
        tpu.vector_store %arg7[%swap3A_56, %swap3A_57], %swap3A_60 {strides = array<i32>} : memref<1024x32xf32, #tpu.memory_space<vmem>>, vector<1x16xf32>,
        %add3A_61 = arith.constant 1 : i32
        %add3A_62 = arith.addi %mul3A_31, %add3A_61 : i32
        %get3A_63 = arith.index_cast %add3A_62 : i32 to index
        %get3A_64 = arith.constant 0 : index
        %get3A_65 = tpu.vector_load %arg7[%get3A_63, %get3A_64] {strides = array<i32>} : memref<1024x32xf32, #tpu.memory_space<vmem>>, vector<1x16xf32>,
        %get3A_66 = vector.shape_cast %get3A_65 : vector<1x16xf32> to vector<16xf32>
        %mul3A_67 = vector.broadcast %squeeze3A : f32 to vector<16xf32>
        %mul3A_68 = arith.mulf %get3A_66, %mul3A_67 : vector<16xf32>
        %add3A_69 = arith.constant 1 : i32
        %add3A_70 = arith.addi %mul3A_31, %add3A_69 : i32
        %swap3A_71 = arith.index_cast %add3A_70 : i32 to index
        %swap3A_72 = arith.constant 0 : index
        %swap3A_73 = tpu.vector_load %arg7[%swap3A_71, %swap3A_72] {strides = array<i32>} : memref<1024x32xf32, #tpu.memory_space<vmem>>, vector<1x16xf32>,
        %swap3A_74 = vector.shape_cast %swap3A_73 : vector<1x16xf32> to vector<16xf32>
        %swap3A_75 = vector.shape_cast %mul3A_68 : vector<16xf32> to vector<1x16xf32>
        tpu.vector_store %arg7[%swap3A_71, %swap3A_72], %swap3A_75 {strides = array<i32>} : memref<1024x32xf32, #tpu.memory_space<vmem>>, vector<1x16xf32>,
        %add3A_76 = arith.constant 1 : i32
        %add3A_77 = arith.addi %mul3A_31, %add3A_76 : i32
        %get3A_78 = arith.index_cast %add3A_77 : i32 to index
        %get3A_79 = arith.constant 16 : index
        %get3A_80 = tpu.vector_load %arg7[%get3A_78, %get3A_79] {strides = array<i32>} : memref<1024x32xf32, #tpu.memory_space<vmem>>, vector<1x16xf32>,
        %get3A_81 = vector.shape_cast %get3A_80 : vector<1x16xf32> to vector<16xf32>
        %mul3A_82 = vector.broadcast %squeeze3A : f32 to vector<16xf32>
        %mul3A_83 = arith.mulf %get3A_81, %mul3A_82 : vector<16xf32>
        %add3A_84 = arith.constant 1 : i32
        %add3A_85 = arith.addi %mul3A_31, %add3A_84 : i32
        %swap3A_86 = arith.index_cast %add3A_85 : i32 to index
        %swap3A_87 = arith.constant 16 : index
        %swap3A_88 = tpu.vector_load %arg7[%swap3A_86, %swap3A_87] {strides = array<i32>} : memref<1024x32xf32, #tpu.memory_space<vmem>>, vector<1x16xf32>,
        %swap3A_89 = vector.shape_cast %swap3A_88 : vector<1x16xf32> to vector<16xf32>
        %swap3A_90 = vector.shape_cast %mul3A_83 : vector<16xf32> to vector<1x16xf32>
        tpu.vector_store %arg7[%swap3A_86, %swap3A_87], %swap3A_90 {strides = array<i32>} : memref<1024x32xf32, #tpu.memory_space<vmem>>, vector<1x16xf32>,
        %add3A_91 = arith.constant 2 : i32
        %add3A_92 = arith.addi %mul3A_31, %add3A_91 : i32
        %get3A_93 = arith.index_cast %add3A_92 : i32 to index
        %get3A_94 = arith.constant 0 : index
        %get3A_95 = tpu.vector_load %arg7[%get3A_93, %get3A_94] {strides = array<i32>} : memref<1024x32xf32, #tpu.memory_space<vmem>>, vector<1x16xf32>,
        %get3A_96 = vector.shape_cast %get3A_95 : vector<1x16xf32> to vector<16xf32>
        %mul3A_97 = vector.broadcast %squeeze3A : f32 to vector<16xf32>
        %mul3A_98 = arith.mulf %get3A_96, %mul3A_97 : vector<16xf32>
        %add3A_99 = arith.constant 2 : i32
        %add3A_100 = arith.addi %mul3A_31, %add3A_99 : i32
        %swap3A_101 = arith.index_cast %add3A_100 : i32 to index
        %swap3A_102 = arith.constant 0 : index
        %swap3A_103 = tpu.vector_load %arg7[%swap3A_101, %swap3A_102] {strides = array<i32>} : memref<1024x32xf32, #tpu.memory_space<vmem>>, vector<1x16xf32>,
        %swap3A_104 = vector.shape_cast %swap3A_103 : vector<1x16xf32> to vector<16xf32>
        %swap3A_105 = vector.shape_cast %mul3A_98 : vector<16xf32> to vector<1x16xf32>
        tpu.vector_store %arg7[%swap3A_101, %swap3A_102], %swap3A_105 {strides = array<i32>} : memref<1024x32xf32, #tpu.memory_space<vmem>>, vector<1x16xf32>,
        %add3A_106 = arith.constant 2 : i32
        %add3A_107 = arith.addi %mul3A_31, %add3A_106 : i32
        %get3A_108 = arith.index_cast %add3A_107 : i32 to index
        %get3A_109 = arith.constant 16 : index
        %get3A_110 = tpu.vector_load %arg7[%get3A_108, %get3A_109] {strides = array<i32>} : memref<1024x32xf32, #tpu.memory_space<vmem>>, vector<1x16xf32>,
        %get3A_111 = vector.shape_cast %get3A_110 : vector<1x16xf32> to vector<16xf32>
        %mul3A_112 = vector.broadcast %squeeze3A : f32 to vector<16xf32>
        %mul3A_113 = arith.mulf %get3A_111, %mul3A_112 : vector<16xf32>
        %add3A_114 = arith.constant 2 : i32
        %add3A_115 = arith.addi %mul3A_31, %add3A_114 : i32
        %swap3A_116 = arith.index_cast %add3A_115 : i32 to index
        %swap3A_117 = arith.constant 16 : index
        %swap3A_118 = tpu.vector_load %arg7[%swap3A_116, %swap3A_117] {strides = array<i32>} : memref<1024x32xf32, #tpu.memory_space<vmem>>, vector<1x16xf32>,
        %swap3A_119 = vector.shape_cast %swap3A_118 : vector<1x16xf32> to vector<16xf32>
        %swap3A_120 = vector.shape_cast %mul3A_113 : vector<16xf32> to vector<1x16xf32>
        tpu.vector_store %arg7[%swap3A_116, %swap3A_117], %swap3A_120 {strides = array<i32>} : memref<1024x32xf32, #tpu.memory_space<vmem>>, vector<1x16xf32>,
        %add3A_121 = arith.constant 3 : i32
        %add3A_122 = arith.addi %mul3A_31, %add3A_121 : i32
        %get3A_123 = arith.index_cast %add3A_122 : i32 to index
        %get3A_124 = arith.constant 0 : index
        %get3A_125 = tpu.vector_load %arg7[%get3A_123, %get3A_124] {strides = array<i32>} : memref<1024x32xf32, #tpu.memory_space<vmem>>, vector<1x16xf32>,
        %get3A_126 = vector.shape_cast %get3A_125 : vector<1x16xf32> to vector<16xf32>
        %mul3A_127 = vector.broadcast %squeeze3A : f32 to vector<16xf32>
        %mul3A_128 = arith.mulf %get3A_126, %mul3A_127 : vector<16xf32>
        %add3A_129 = arith.constant 3 : i32
        %add3A_130 = arith.addi %mul3A_31, %add3A_129 : i32
        %swap3A_131 = arith.index_cast %add3A_130 : i32 to index
        %swap3A_132 = arith.constant 0 : index
        %swap3A_133 = tpu.vector_load %arg7[%swap3A_131, %swap3A_132] {strides = array<i32>} : memref<1024x32xf32, #tpu.memory_space<vmem>>, vector<1x16xf32>,
        %swap3A_134 = vector.shape_cast %swap3A_133 : vector<1x16xf32> to vector<16xf32>
        %swap3A_135 = vector.shape_cast %mul3A_128 : vector<16xf32> to vector<1x16xf32>
        tpu.vector_store %arg7[%swap3A_131, %swap3A_132], %swap3A_135 {strides = array<i32>} : memref<1024x32xf32, #tpu.memory_space<vmem>>, vector<1x16xf32>,
        %add3A_136 = arith.constant 3 : i32
        %add3A_137 = arith.addi %mul3A_31, %add3A_136 : i32
        %get3A_138 = arith.index_cast %add3A_137 : i32 to index
        %get3A_139 = arith.constant 16 : index
        %get3A_140 = tpu.vector_load %arg7[%get3A_138, %get3A_139] {strides = array<i32>} : memref<1024x32xf32, #tpu.memory_space<vmem>>, vector<1x16xf32>,
        %get3A_141 = vector.shape_cast %get3A_140 : vector<1x16xf32> to vector<16xf32>
        %mul3A_142 = vector.broadcast %squeeze3A : f32 to vector<16xf32>
        %mul3A_143 = arith.mulf %get3A_141, %mul3A_142 : vector<16xf32>
        %add3A_144 = arith.constant 3 : i32
        %add3A_145 = arith.addi %mul3A_31, %add3A_144 : i32
        %swap3A_146 = arith.index_cast %add3A_145 : i32 to index
        %swap3A_147 = arith.constant 16 : index
        %swap3A_148 = tpu.vector_load %arg7[%swap3A_146, %swap3A_147] {strides = array<i32>} : memref<1024x32xf32, #tpu.memory_space<vmem>>, vector<1x16xf32>,
        %swap3A_149 = vector.shape_cast %swap3A_148 : vector<1x16xf32> to vector<16xf32>
        %swap3A_150 = vector.shape_cast %mul3A_143 : vector<16xf32> to vector<1x16xf32>
        tpu.vector_store %arg7[%swap3A_146, %swap3A_147], %swap3A_150 {strides = array<i32>} : memref<1024x32xf32, #tpu.memory_space<vmem>>, vector<1x16xf32>,
        %add3A_151 = arith.constant 4 : i32
        %add3A_152 = arith.addi %mul3A_31, %add3A_151 : i32
        %get3A_153 = arith.index_cast %add3A_152 : i32 to index
        %get3A_154 = arith.constant 0 : index
        %get3A_155 = tpu.vector_load %arg7[%get3A_153, %get3A_154] {strides = array<i32>} : memref<1024x32xf32, #tpu.memory_space<vmem>>, vector<1x16xf32>,
        %get3A_156 = vector.shape_cast %get3A_155 : vector<1x16xf32> to vector<16xf32>
        %mul3A_157 = vector.broadcast %squeeze3A : f32 to vector<16xf32>
        %mul3A_158 = arith.mulf %get3A_156, %mul3A_157 : vector<16xf32>
        %add3A_159 = arith.constant 4 : i32
        %add3A_160 = arith.addi %mul3A_31, %add3A_159 : i32
        %swap3A_161 = arith.index_cast %add3A_160 : i32 to index
        %swap3A_162 = arith.constant 0 : index
        %swap3A_163 = tpu.vector_load %arg7[%swap3A_161, %swap3A_162] {strides = array<i32>} : memref<1024x32xf32, #tpu.memory_space<vmem>>, vector<1x16xf32>,
        %swap3A_164 = vector.shape_cast %swap3A_163 : vector<1x16xf32> to vector<16xf32>
        %swap3A_165 = vector.shape_cast %mul3A_158 : vector<16xf32> to vector<1x16xf32>
        tpu.vector_store %arg7[%swap3A_161, %swap3A_162], %swap3A_165 {strides = array<i32>} : memref<1024x32xf32, #tpu.memory_space<vmem>>, vector<1x16xf32>,
        %add3A_166 = arith.constant 4 : i32
        %add3A_167 = arith.addi %mul3A_31, %add3A_166 : i32
        %get3A_168 = arith.index_cast %add3A_167 : i32 to index
        %get3A_169 = arith.constant 16 : index
        %get3A_170 = tpu.vector_load %arg7[%get3A_168, %get3A_169] {strides = array<i32>} : memref<1024x32xf32, #tpu.memory_space<vmem>>, vector<1x16xf32>,
        %get3A_171 = vector.shape_cast %get3A_170 : vector<1x16xf32> to vector<16xf32>
        %mul3A_172 = vector.broadcast %squeeze3A : f32 to vector<16xf32>
        %mul3A_173 = arith.mulf %get3A_171, %mul3A_172 : vector<16xf32>
        %add3A_174 = arith.constant 4 : i32
        %add3A_175 = arith.addi %mul3A_31, %add3A_174 : i32
        %swap3A_176 = arith.index_cast %add3A_175 : i32 to index
        %swap3A_177 = arith.constant 16 : index
        %swap3A_178 = tpu.vector_load %arg7[%swap3A_176, %swap3A_177] {strides = array<i32>} : memref<1024x32xf32, #tpu.memory_space<vmem>>, vector<1x16xf32>,
        %swap3A_179 = vector.shape_cast %swap3A_178 : vector<1x16xf32> to vector<16xf32>
        %swap3A_180 = vector.shape_cast %mul3A_173 : vector<16xf32> to vector<1x16xf32>
        tpu.vector_store %arg7[%swap3A_176, %swap3A_177], %swap3A_180 {strides = array<i32>} : memref<1024x32xf32, #tpu.memory_space<vmem>>, vector<1x16xf32>,
        %add3A_181 = arith.constant 5 : i32
        %add3A_182 = arith.addi %mul3A_31, %add3A_181 : i32
        %get3A_183 = arith.index_cast %add3A_182 : i32 to index
        %get3A_184 = arith.constant 0 : index
        %get3A_185 = tpu.vector_load %arg7[%get3A_183, %get3A_184] {strides = array<i32>} : memref<1024x32xf32, #tpu.memory_space<vmem>>, vector<1x16xf32>,
        %get3A_186 = vector.shape_cast %get3A_185 : vector<1x16xf32> to vector<16xf32>
        %mul3A_187 = vector.broadcast %squeeze3A : f32 to vector<16xf32>
        %mul3A_188 = arith.mulf %get3A_186, %mul3A_187 : vector<16xf32>
        %add3A_189 = arith.constant 5 : i32
        %add3A_190 = arith.addi %mul3A_31, %add3A_189 : i32
        %swap3A_191 = arith.index_cast %add3A_190 : i32 to index
        %swap3A_192 = arith.constant 0 : index
        %swap3A_193 = tpu.vector_load %arg7[%swap3A_191, %swap3A_192] {strides = array<i32>} : memref<1024x32xf32, #tpu.memory_space<vmem>>, vector<1x16xf32>,
        %swap3A_194 = vector.shape_cast %swap3A_193 : vector<1x16xf32> to vector<16xf32>
        %swap3A_195 = vector.shape_cast %mul3A_188 : vector<16xf32> to vector<1x16xf32>
        tpu.vector_store %arg7[%swap3A_191, %swap3A_192], %swap3A_195 {strides = array<i32>} : memref<1024x32xf32, #tpu.memory_space<vmem>>, vector<1x16xf32>,
        %add3A_196 = arith.constant 5 : i32
        %add3A_197 = arith.addi %mul3A_31, %add3A_196 : i32
        %get3A_198 = arith.index_cast %add3A_197 : i32 to index
        %get3A_199 = arith.constant 16 : index
        %get3A_200 = tpu.vector_load %arg7[%get3A_198, %get3A_199] {strides = array<i32>} : memref<1024x32xf32, #tpu.memory_space<vmem>>, vector<1x16xf32>,
        %get3A_201 = vector.shape_cast %get3A_200 : vector<1x16xf32> to vector<16xf32>
        %mul3A_202 = vector.broadcast %squeeze3A : f32 to vector<16xf32>
        %mul3A_203 = arith.mulf %get3A_201, %mul3A_202 : vector<16xf32>
        %add3A_204 = arith.constant 5 : i32
        %add3A_205 = arith.addi %mul3A_31, %add3A_204 : i32
        %swap3A_206 = arith.index_cast %add3A_205 : i32 to index
        %swap3A_207 = arith.constant 16 : index
        %swap3A_208 = tpu.vector_load %arg7[%swap3A_206, %swap3A_207] {strides = array<i32>} : memref<1024x32xf32, #tpu.memory_space<vmem>>, vector<1x16xf32>,
        %swap3A_209 = vector.shape_cast %swap3A_208 : vector<1x16xf32> to vector<16xf32>
        %swap3A_210 = vector.shape_cast %mul3A_203 : vector<16xf32> to vector<1x16xf32>
        tpu.vector_store %arg7[%swap3A_206, %swap3A_207], %swap3A_210 {strides = array<i32>} : memref<1024x32xf32, #tpu.memory_space<vmem>>, vector<1x16xf32>,
        %add3A_211 = arith.constant 6 : i32
        %add3A_212 = arith.addi %mul3A_31, %add3A_211 : i32
        %get3A_213 = arith.index_cast %add3A_212 : i32 to index
        %get3A_214 = arith.constant 0 : index
        %get3A_215 = tpu.vector_load %arg7[%get3A_213, %get3A_214] {strides = array<i32>} : memref<1024x32xf32, #tpu.memory_space<vmem>>, vector<1x16xf32>,
        %get3A_216 = vector.shape_cast %get3A_215 : vector<1x16xf32> to vector<16xf32>
        %mul3A_217 = vector.broadcast %squeeze3A : f32 to vector<16xf32>
        %mul3A_218 = arith.mulf %get3A_216, %mul3A_217 : vector<16xf32>
        %add3A_219 = arith.constant 6 : i32
        %add3A_220 = arith.addi %mul3A_31, %add3A_219 : i32
        %swap3A_221 = arith.index_cast %add3A_220 : i32 to index
        %swap3A_222 = arith.constant 0 : index
        %swap3A_223 = tpu.vector_load %arg7[%swap3A_221, %swap3A_222] {strides = array<i32>} : memref<1024x32xf32, #tpu.memory_space<vmem>>, vector<1x16xf32>,
        %swap3A_224 = vector.shape_cast %swap3A_223 : vector<1x16xf32> to vector<16xf32>
        %swap3A_225 = vector.shape_cast %mul3A_218 : vector<16xf32> to vector<1x16xf32>
        tpu.vector_store %arg7[%swap3A_221, %swap3A_222], %swap3A_225 {strides = array<i32>} : memref<1024x32xf32, #tpu.memory_space<vmem>>, vector<1x16xf32>,
        %add3A_226 = arith.constant 6 : i32
        %add3A_227 = arith.addi %mul3A_31, %add3A_226 : i32
        %get3A_228 = arith.index_cast %add3A_227 : i32 to index
        %get3A_229 = arith.constant 16 : index
        %get3A_230 = tpu.vector_load %arg7[%get3A_228, %get3A_229] {strides = array<i32>} : memref<1024x32xf32, #tpu.memory_space<vmem>>, vector<1x16xf32>,
        %get3A_231 = vector.shape_cast %get3A_230 : vector<1x16xf32> to vector<16xf32>
        %mul3A_232 = vector.broadcast %squeeze3A : f32 to vector<16xf32>
        %mul3A_233 = arith.mulf %get3A_231, %mul3A_232 : vector<16xf32>
        %add3A_234 = arith.constant 6 : i32
        %add3A_235 = arith.addi %mul3A_31, %add3A_234 : i32
        %swap3A_236 = arith.index_cast %add3A_235 : i32 to index
        %swap3A_237 = arith.constant 16 : index
        %swap3A_238 = tpu.vector_load %arg7[%swap3A_236, %swap3A_237] {strides = array<i32>} : memref<1024x32xf32, #tpu.memory_space<vmem>>, vector<1x16xf32>,
        %swap3A_239 = vector.shape_cast %swap3A_238 : vector<1x16xf32> to vector<16xf32>
        %swap3A_240 = vector.shape_cast %mul3A_233 : vector<16xf32> to vector<1x16xf32>
        tpu.vector_store %arg7[%swap3A_236, %swap3A_237], %swap3A_240 {strides = array<i32>} : memref<1024x32xf32, #tpu.memory_space<vmem>>, vector<1x16xf32>,
        %add3A_241 = arith.constant 7 : i32
        %add3A_242 = arith.addi %mul3A_31, %add3A_241 : i32
        %get3A_243 = arith.index_cast %add3A_242 : i32 to index
        %get3A_244 = arith.constant 0 : index
        %get3A_245 = tpu.vector_load %arg7[%get3A_243, %get3A_244] {strides = array<i32>} : memref<1024x32xf32, #tpu.memory_space<vmem>>, vector<1x16xf32>,
        %get3A_246 = vector.shape_cast %get3A_245 : vector<1x16xf32> to vector<16xf32>
        %mul3A_247 = vector.broadcast %squeeze3A : f32 to vector<16xf32>
        %mul3A_248 = arith.mulf %get3A_246, %mul3A_247 : vector<16xf32>
        %add3A_249 = arith.constant 7 : i32
        %add3A_250 = arith.addi %mul3A_31, %add3A_249 : i32
        %swap3A_251 = arith.index_cast %add3A_250 : i32 to index
        %swap3A_252 = arith.constant 0 : index
        %swap3A_253 = tpu.vector_load %arg7[%swap3A_251, %swap3A_252] {strides = array<i32>} : memref<1024x32xf32, #tpu.memory_space<vmem>>, vector<1x16xf32>,
        %swap3A_254 = vector.shape_cast %swap3A_253 : vector<1x16xf32> to vector<16xf32>
        %swap3A_255 = vector.shape_cast %mul3A_248 : vector<16xf32> to vector<1x16xf32>
        tpu.vector_store %arg7[%swap3A_251, %swap3A_252], %swap3A_255 {strides = array<i32>} : memref<1024x32xf32, #tpu.memory_space<vmem>>, vector<1x16xf32>,
        %add3A_256 = arith.constant 7 : i32
        %add3A_257 = arith.addi %mul3A_31, %add3A_256 : i32
        %get3A_258 = arith.index_cast %add3A_257 : i32 to index
        %get3A_259 = arith.constant 16 : index
        %get3A_260 = tpu.vector_load %arg7[%get3A_258, %get3A_259] {strides = array<i32>} : memref<1024x32xf32, #tpu.memory_space<vmem>>, vector<1x16xf32>,
        %get3A_261 = vector.shape_cast %get3A_260 : vector<1x16xf32> to vector<16xf32>
        %mul3A_262 = vector.broadcast %squeeze3A : f32 to vector<16xf32>
        %mul3A_263 = arith.mulf %get3A_261, %mul3A_262 : vector<16xf32>
        %add3A_264 = arith.constant 7 : i32
        %add3A_265 = arith.addi %mul3A_31, %add3A_264 : i32
        %swap3A_266 = arith.index_cast %add3A_265 : i32 to index
        %swap3A_267 = arith.constant 16 : index
        %swap3A_268 = tpu.vector_load %arg7[%swap3A_266, %swap3A_267] {strides = array<i32>} : memref<1024x32xf32, #tpu.memory_space<vmem>>, vector<1x16xf32>,
        %swap3A_269 = vector.shape_cast %swap3A_268 : vector<1x16xf32> to vector<16xf32>
        %swap3A_270 = vector.shape_cast %mul3A_263 : vector<16xf32> to vector<1x16xf32>
        tpu.vector_store %arg7[%swap3A_266, %swap3A_267], %swap3A_270 {strides = array<i32>} : memref<1024x32xf32, #tpu.memory_space<vmem>>, vector<1x16xf32>,
        %scan3A_271 = arith.constant 0 : i32
        scf.yield %scan3A_271 : i32
      }
      %scan3A_26 = arith.constant 128 : i32
      "tpu.region"() ({
        %run_scoped3A = tpu.sem_alloc : memref<!tpu.dma_semaphore, #tpu.memory_space<semaphore_mem>>
        %dma_start3A_28 = arith.constant 0 : i32
        %dma_start3A_29 = tpu.memref_slice %arg5[%add3A_15, %dma_start3A_28] : memref<3276800x32xf32, #tpu.memory_space<hbm>> -> memref<1024x32xf32, #tpu.memory_space<hbm>>
        %dma_start3A_30 = arith.constant 0 : i32
        %dma_start3A_31 = tpu.memref_slice %arg5[%add3A_15, %dma_start3A_30] : memref<3276800x32xf32, #tpu.memory_space<hbm>> -> memref<1024x32xf32, #tpu.memory_space<hbm>>
        tpu.enqueue_dma source(%arg7 : memref<1024x32xf32, #tpu.memory_space<vmem>>) target(%dma_start3A_31 : memref<1024x32xf32, #tpu.memory_space<hbm>>) target_semaphore(%run_scoped3A : memref<!tpu.dma_semaphore, #tpu.memory_space<semaphore_mem>>)
        %dma_wait3A_32 = arith.constant 0 : i32
        %dma_wait3A_33 = tpu.memref_slice %arg5[%add3A_15, %dma_wait3A_32] : memref<3276800x32xf32, #tpu.memory_space<hbm>> -> memref<1024x32xf32, #tpu.memory_space<hbm>>
        %dma_wait3A_34 = arith.constant 0 : i32
        %dma_wait3A_35 = tpu.memref_slice %arg5[%add3A_15, %dma_wait3A_34] : memref<3276800x32xf32, #tpu.memory_space<hbm>> -> memref<1024x32xf32, #tpu.memory_space<hbm>>
        tpu.wait_dma2 semaphore(%run_scoped3A : memref<!tpu.dma_semaphore, #tpu.memory_space<semaphore_mem>>) src(%arg7 : memref<1024x32xf32, #tpu.memory_space<vmem>>) dst(%dma_wait3A_35 : memref<1024x32xf32, #tpu.memory_space<hbm>>)
        tpu.yield
      }) : () -> ()
      %scan3A_27 = arith.constant 0 : i32
      scf.yield %scan3A_27 : i32
    }
    %scan3A_10 = arith.constant 100 : i32
    return
  }
}

</mosaic_0001>

<sc_bundles>
// kernel: kernel.3.cloned.1.call-start
scs
__scs_entry_jumppad:
0x0: {  	(pc) =	sbr.rel $0x88, $3  }
0x1: {  	(tag) =	ssettag $0x0;
	lr =	simm.s32 $0x1  }
0x2: {  	[smem:$0x3F9F] =	sst lr;
	_ =	strace $0xD0000000  }
0x3: {  	_ = 	snop  }
0x4: {  	_ = 	snop  }
0x5: {  	_ = 	snop  }
0x6: {  	_ = 	snop  }
0x7: {  	_ = 	snop  }
__scs_overlays_trampoline_lowered:
0x8: {  	[smem:$0x3FAE] =	sst s0  }
0x9: {  	[smem:$0x3FAF] =	sst s1  }
0xa: {  	[smem:$0x3FB0] =	sst s2  }
0xb: {  	[smem:$0x3FB1] =	sst s3  }
0xc: {  	[smem:$0x3FB2] =	sst s4  }
0xd: {  	[smem:$0x3FB3] =	sst s5  }
0xe: {  	[smem:$0x3FB4] =	sst s6  }
0xf: {  	[smem:$0x3FB5] =	sst s7  }
0x10: {  	[smem:$0x3FB6] =	sst s8  }
0x11: {  	[smem:$0x3FB7] =	sst s9;
	s0 =	simm.s32 @!p0 $0x0  }
0x12: {  	s1 =	sld [smem:$0x3F9D];
	s0 =	simm.s32 @p0 $0x1  }
0x13: {  	[smem:$0x3FB8] =	sst s0;
	s0 =	simm.s32 @!p1 $0x0  }
0x14: {  	s2 =	sld [smem:$0x3F9C];
	s0 =	simm.s32 @p1 $0x1  }
0x15: {  	[smem:$0x3FB9] =	sst s0;
	s0 =	simm.s32 @!p2 $0x0  }
0x16: {  	s3 =	sld [smem:$0x3FDB];
	s0 =	simm.s32 @p2 $0x1  }
0x17: {  	s4 =	simm.s32 $0x1BF5;
	[smem:$0x3FBB] =	sst s0  }
0x18: {  	s0 =	sld [smem:$0x3F9E];
	_ =	swait.ge [sflag:s4], $0x0  }
0x19: {  	s7 =	sld [smem:$0x3F9F]  }
0x1a: {  	s8 =	sadd.s32 $0xFFFFE003, lr  }
0x1b: {  	s9 =	sadd.s32 $0xFFFFFEF7, lr;
	s5 =	simm.s32 $0xFFFFFFFF;
	p2 =	slt.u32 s8, $0xFFFFF086  }
0x1c: {  	p1 =	slt.u32 s9, $0xF7A;
	s5 =	simm.s32 @!p2 $0x0  }
0x1d: {  	s5 =	simm.s32 @p1 $0x1;
	p0 =	seq.s32 s7, s2  }
0x1e: {  	s7 =	smul.u32 @!p0 $0xF7A, s2;
	p2 =	seq.s32 @!p0 s5, $0x0  }
0x1f: {  	s9 =	smul.u32 $0xF7A, s1;
	s8 =	simm.s32 @!p0 $0x1BF5;
	p2 =	por !p2, p0  }
0x20: {  	[sflag:s8] =	ssyncset.s32 @!p0 $0xFFFFF086;
	s6 =	sadd.s32 @!p0 s3, s7;
	s7 =	simm.s32 @!p0 $0x108  }
0x21: {  	s3 =	sadd.s32 s3, s9;
	s6 =	sadd.s32 @!p0 $0x88, s6;
	s7 =	simm.s32 @p2 $0x1082  }
0x22: {  	[simem:s7], [sflag:s8] =	dma.local @!p0 [hbm:s6], $0xF7A  }
0x23: {  	s9 =	sor.u32 $0xD0000000, s2;
	s6 =	simm.s32 $0x108;
	_ =	swait.ge @!p0 [sflag:s8], $0x0  }
0x24: {  	s3 =	sadd.s32 $0x88, s3;
	s6 =	simm.s32 @!p1 $0x1082;
	[sflag:s4] =	ssyncset.s32 $0xFFFFF086  }
0x25: {  	[simem:s6], [sflag:s4] =	dma.local [hbm:s3], $0xF7A  }
0x26: {  	[smem:$0x3F9F] =	sst s1;
	(tag) =	ssettag s2;
	_ =	strace s9  }
0x27: {  	s1 =	sld [smem:$0x3FAF]  }
0x28: {  	s2 =	sld [smem:$0x3FB0]  }
0x29: {  	s4 =	sld [smem:$0x3FB2]  }
0x2a: {  	p0 =	seq.s32 s5, $0x0;
	s5 =	sld [smem:$0x3FB3]  }
0x2b: {  	s6 =	sld [smem:$0x3FB4]  }
0x2c: {  	s7 =	sld [smem:$0x3FB5]  }
0x2d: {  	s3 =	simm.s32 $0x108;
	s8 =	sld [smem:$0x3FB6]  }
0x2e: {  	s3 =	simm.s32 @!p0 $0x1082;
	s9 =	sld [smem:$0x3FB7]  }
0x2f: {  	lr =	sadd.s32 s0, s3;
	s0 =	sld [smem:$0x3FAE]  }
0x30: {  	s3 =	sld [smem:$0x3FB1]  }
0x31: {  	[smem:$0x3FBA] =	sst s10  }
0x32: {  	s10 =	sld [smem:$0x3FB8];
	_ =	sdelay $0x3  }
0x33: {  	p0 =	seq.s32 s10, $0x1;
	s10 =	sld [smem:$0x3FBA];
	_ =	sdelay $0x3  }
0x34: {  	[smem:$0x3FBA] =	sst s10  }
0x35: {  	s10 =	sld [smem:$0x3FB9];
	_ =	sdelay $0x3  }
0x36: {  	p1 =	seq.s32 s10, $0x1;
	s10 =	sld [smem:$0x3FBA];
	_ =	sdelay $0x3  }
0x37: {  	[smem:$0x3FBA] =	sst s10  }
0x38: {  	s10 =	sld [smem:$0x3FBB]  }
0x39: {  	_ = 	snop;
	(pc) =	sbr.ind lr, $3  }
0x3a: {  	_ = 	snop  }
0x3b: {  	_ = 	snop  }
0x3c: {  	p2 =	seq.s32 s10, $0x1;
	s10 =	sld [smem:$0x3FBA]  }
0x3d: {  	_ =	shalt  }
0x3e: {  	_ =	shalt  }
0x3f: {  	_ =	shalt  }
0x40: {  	_ =	shalt  }
0x41: {  	_ =	shalt  }
0x42: {  	_ =	shalt  }
0x43: {  	_ =	shalt  }
0x44: {  	_ =	shalt  }
0x45: {  	_ =	shalt  }
0x46: {  	_ =	shalt  }
0x47: {  	_ =	shalt  }
0x48: {  	_ =	shalt  }
0x49: {  	_ =	shalt  }
0x4a: {  	_ =	shalt  }
0x4b: {  	_ =	shalt  }
0x4c: {  	_ =	shalt  }
0x4d: {  	_ =	shalt  }
0x4e: {  	_ =	shalt  }
0x4f: {  	_ =	shalt  }
0x50: {  	_ =	shalt  }
0x51: {  	_ =	shalt  }
0x52: {  	_ =	shalt  }
0x53: {  	_ =	shalt  }
0x54: {  	_ =	shalt  }
0x55: {  	_ =	shalt  }
0x56: {  	_ =	shalt  }
0x57: {  	_ =	shalt  }
0x58: {  	_ =	shalt  }
0x59: {  	_ =	shalt  }
0x5a: {  	_ =	shalt  }
0x5b: {  	_ =	shalt  }
0x5c: {  	_ =	shalt  }
0x5d: {  	_ =	shalt  }
0x5e: {  	_ =	shalt  }
0x5f: {  	_ =	shalt  }
0x60: {  	_ =	shalt  }
0x61: {  	_ =	shalt  }
0x62: {  	_ =	shalt  }
0x63: {  	_ =	shalt  }
0x64: {  	_ =	shalt  }
0x65: {  	_ =	shalt  }
0x66: {  	_ =	shalt  }
0x67: {  	_ =	shalt  }
0x68: {  	_ =	shalt  }
0x69: {  	_ =	shalt  }
0x6a: {  	_ =	shalt  }
0x6b: {  	_ =	shalt  }
0x6c: {  	_ =	shalt  }
0x6d: {  	_ =	shalt  }
0x6e: {  	_ =	shalt  }
0x6f: {  	_ =	shalt  }
0x70: {  	_ =	shalt  }
0x71: {  	_ =	shalt  }
0x72: {  	_ =	shalt  }
0x73: {  	_ =	shalt  }
0x74: {  	_ =	shalt  }
0x75: {  	_ =	shalt  }
0x76: {  	_ =	shalt  }
0x77: {  	_ =	shalt  }
0x78: {  	_ =	shalt  }
0x79: {  	_ =	shalt  }
0x7a: {  	_ =	shalt  }
0x7b: {  	_ =	shalt  }
0x7c: {  	_ =	shalt  }
0x7d: {  	_ =	shalt  }
0x7e: {  	_ =	shalt  }
0x7f: {  	_ =	shalt  }
0x80: {  	_ =	shalt  }
0x81: {  	_ =	shalt  }
0x82: {  	_ =	shalt  }
0x83: {  	_ =	shalt  }
0x84: {  	_ =	shalt  }
0x85: {  	_ =	shalt  }
0x86: {  	_ =	shalt  }
0x87: {  	_ =	shalt  }
.Lfunc_end0:
.L_simem_size_0:
called_computation.1_lowered:
.L_overlay_start_0:
0x88: {  	s2 =	sld [smem:$0x3FD9]  }
0x89: {  	s3 =	sld [smem:$0x3FFE];
	_ =	sdelay $0x1  }
0x8a: {  	s1 =	srdreg.scid  }
0x8b: {  	s0 =	sand.u32 $0x1, s1  }
0x8c: {  	s17 =	sshll.u32 s0, $0xA;
	s2 =	sadd.s32 s3, s2  }
0x8d: {  	s2 =	sadd.s32 s2, s17  }
0x8e: {  	[smem:$0x3FC6] =	sst s2  }
0x8f: {  	_ = 	snop  }
0x90: {  	s2 =	sld [smem:$0x3FD0];
	(tm) =	ssettm $0x1  }
0x91: {  	s18 =	sld [smem:$0x3FFB];
	_ =	sdelay $0x3  }
0x92: {  	_ =	strace s18  }
0x93: {  	s3 =	sld [smem:$0x3FFC];
	_ =	sdelay $0x3  }
0x94: {  	_ =	strace s3  }
0x95: {  	s3 =	sld [smem:$0x3FFD];
	_ =	sdelay $0x3  }
0x96: {  	_ =	strace s3  }
0x97: {  	_ =	strace $0x8FFFFFFF  }
0x98: {  	s19 =	sld [smem:$0x3FDB];
	_ =	sdelay $0x1  }
0x99: {  	s4 =	simm.s32 $_scs_section_size  }
0x9a: {  	s5 =	simm.s32 $_size__tile_overlayer_lowered;
	s6 =	simm.s32 $_tile_overlayer_lowered  }
0x9b: {  	s22 =	simm.s32 $0x1BFF;
	s21 =	sshll.u32 s6, $0x1;
	s3 =	sadd.s32 s4, s19  }
0x9c: {  	s7 =	simm.s32 $0x0;
	s20 =	sshll.u32 s5, $0x1;
	s5 =	sadd.s32 s21, s3  }
0x9d: {  	[timem:s7], [sflag:s22] =	dma.local [hbm:s5], s20  }
0x9e: {  	_ =	swait.ge [sflag:s22], s20  }
0x9f: {  	s4 =	ssub.s32 $0x0, s20;
	[sflag:s22] =	ssyncset.done $0x0  }
0xa0: {  	[sflag:s22] =	ssyncadd.s32 s4;
	_ =	sdelay $0x1  }
0xa1: {  	s23 =	simm.s32 $0x1B8B  }
0xa2: {  	_ =	swait.ge [sflag:s23], $0x1  }
0xa3: {  	[sflag:s23] =	ssyncset.done $0x0  }
0xa4: {  	s25 =	simm.s32 $0x1B8E;
	s24 =	sld [smem:$0x3FFE];
	[sflag:s23] =	ssyncadd.s32 $0xFFFFFFFF  }
0xa5: {  	s26 =	simm.s32 $execute0_lowered;
	[smem:$0x3FD2] =	sst s25  }
0xa6: {  	s5 =	sshll.u32 s26, $0x1;
	_ =	strace $0x80000046;
	[dreg:$0x1] =	wrdreg $0xFFFFFFFF  }
0xa7: {  	s28 =	simm.s32 $_size_execute0_lowered;
	s3 =	sadd.s32 s3, s5;
	[dreg:$0x0] =	wrdreg $0x0  }
0xa8: {  	s5 =	sshll.u32 s28, $0x1;
	[dreg:$0x2] =	wrdreg s3  }
0xa9: {  	[dreg:$0x3] =	wrdreg s5  }
0xaa: {  	[dreg:$0x4] =	wrdreg $0xC0  }
0xab: {  	_ =	task [dreg:s7], $0x5FFFF  }
0xac: {  	[dreg:$0x1] =	wrdreg $0xFFFFFFFF  }
0xad: {  	[dreg:$0x0] =	wrdreg $0x60  }
0xae: {  	[dreg:$0x2] =	wrdreg s24  }
0xaf: {  	[dreg:$0x3] =	wrdreg s2  }
0xb0: {  	[dreg:$0x4] =	wrdreg $0x9  }
0xb1: {  	_ =	task.clear_ibuf [dreg:s7], $0x5FFFF;
	_ =	strace $0x90000046  }
0xb2: {  	s29 =	simm.s32 $0x9;
	_ =	strace $0x80000048  }
0xb3: {  	_ =	swait.ge [sflag:s29], $0x1  }
0xb4: {  	[sflag:s29] =	ssyncadd.s32 $0xFFFFFFFF  }
0xb5: {  	_ =	strace $0x90000048  }
0xb6: {  	_ =	sfence  }
0xb7: {  	s30 =	sld [smem:$0x0];
	_ =	sdelay $0x2  }
0xb8: {  	s31 =	sshll.u32 s1, $0xD;
	s1 =	sshrl.u32 s1, $0x2  }
0xb9: {  	s3 =	sand.u32 $0x4000, s31;
	s1 =	sadd.s32 s1, s30  }
0xba: {  	s0 =	sor.u32 s3, s0;
	s1 =	sshll.u32 s1, $0x11  }
0xbb: {  	s0 =	sor.u32 s1, s0  }
0xbc: {  	s0 =	sadd.s32 $0x8F2B, s0  }
0xbd: {  	[sflag:s0] =	ssyncadd.remote.s32 $0x1  }
0xbe: {  	_ =	sfence.sel $0xFFFF  }
0xbf: {  	[dreg:$0x0] =	wrdreg $0xFFFFFFFF;
	(pc) =	sbr.abs _section_cstart, $3  }
0xc0: {  	[dreg:$0x1] =	wrdreg $0xFFFFFFFF  }
0xc1: {  	_ =	task.clear_ibuf [dreg:s7], $0x2FFFF;
	_ =	strace $0x9FFFFFFF  }
0xc2: {  	(tm) =	ssettm $0x7FFFFFFF  }
0xc3: {  	_ =	shalt  }
tec
execute0_lowered:
.L_overlay_start_1:
0x0: {  	(tag) =	ssettag $0x1  }
0x1: {  	s6 =	rddreg [dreg:$0x0]  }
0x2: {  	s1 =	rddreg [dreg:$0x1]  }
0x3: {  	s0 =	rddreg [dreg:$0x2]  }
0x4: {  	s3 =	simm.s32 $0x0;
	s4 =	srdreg.scid;
	s2 =	stileid.u32  }
0x5: {  	s11 =	simm.s32 $0x400;
	s12 =	simm.s32 $0x1;
	s13 =	simm.s32 $0x0  }
0x6: {  	[smem:$0x7FF] =	sst s3;
	s7 =	sand.u32 $0x1, s4;
	s4 =	sadd.s32 $0x800, s6  }
0x7: {  	s9 =	sshll.u32 s2, $0x1;
	s5 =	sadd.s32 $0xFA6C00, s6;
	s8 =	ssub.s32 $0x2, s7  }
0x8: {  	s6 =	sadd.s32 $0x64800, s6;
	_ =	strace $0x80000047;
	s10 =	sshrl.u32 s8, $0x1  }
0x9: {  	s7 =	sor.u32 s7, s9;
	s9 =	simm.s32 $0x8400;
	s8 =	ssub.s32 s8, s10  }
0xa: {  	s7 =	smul.u32 $0x19000, s7;
	s10 =	simm.s32 $0x2;
	s8 =	smax.u32 s8, $0x1  }
.LBB2_1:
0xb: {  	[tilespmem:s9], [sflag:$0x2] =	stream.linear.gather [hbm4b:s6+s3], $0x1, $0x38;
	[tilespmem:$0x8410] =	vst v63  }
0xc: {  	_ =	swait.ge [sflag:s10], $0x1  }
0xd: {  	[sflag:s10] =	ssyncset.done $0x0  }
0xe: {  	[sflag:s10] =	ssyncadd.s32 $0xFFFFFFFF  }
0xf: {  	v0 =	vld.msk [tilespmem:$0x8400 ss:$0x0], $0xffff;
	_ =	sdelay $0x3  }
0x10: {  	s14 =	simm.s32 $0x0  }
.LBB2_2:
0x11: {  	s15 =	sshll.u32 s14, $0xA  }
0x12: {  	s15 =	sadd.s32 s7, s15  }
0x13: {  	s16 =	sshrl.u32 s15, $0x3  }
0x14: {  	s17 =	simm.s32 $0x0;
	s16 =	sadd.s32 s4, s16  }
0x15: {  	[tilespmem:s17], [sflag:$0x2] =	stream.linear.gather [hbm4b:s16+s17], $0x400, $0x38;
	[tilespmem:$0x8410] =	vst v63  }
0x16: {  	_ =	swait.ge [sflag:s10], $0x400  }
0x17: {  	[sflag:s10] =	ssyncset.done $0x0  }
0x18: {  	[sflag:s10] =	ssyncadd.s32 $0xFFFFFC00  }
0x19: {  	[tilespmem:s11], [sflag:$0x1] =	stream.indirect.gather [hbm4b:s5+s11], $0x20, s17, s11, $0xb8;
	[tilespmem:$0x8410] =	vst v63  }
0x1a: {  	_ =	swait.ge [sflag:s12], $0x8000  }
0x1b: {  	[sflag:s12] =	ssyncset.done $0x0  }
0x1c: {  	s16 =	simm.s32 $0x0;
	[sflag:s12] =	ssyncadd.s32 $0xFFFF8000  }
0x1d: {  	v1 =	vld [tilespmem:s16+$0x400]  }
0x1e: {  	v2 =	vld [tilespmem:s16+$0x410]  }
0x1f: {  	v3 =	vld [tilespmem:s16+$0x420]  }
0x20: {  	v4 =	vld [tilespmem:s16+$0x430]  }
0x21: {  	v5 =	vld [tilespmem:s16+$0x440]  }
0x22: {  	v6 =	vld [tilespmem:s16+$0x450];
	v1 =	vmul.f32 v1, v0  }
0x23: {  	v7 =	vld [tilespmem:s16+$0x460];
	v2 =	vmul.f32 v2, v0  }
0x24: {  	v8 =	vld [tilespmem:s16+$0x470];
	[tilespmem:s16+$0x400] =	vst v1;
	v1 =	vmul.f32 v3, v0  }
0x25: {  	v9 =	vld [tilespmem:s16+$0x480];
	[tilespmem:s16+$0x410] =	vst v2;
	v2 =	vmul.f32 v4, v0  }
0x26: {  	v10 =	vld [tilespmem:s16+$0x490];
	[tilespmem:s16+$0x420] =	vst v1;
	v1 =	vmul.f32 v5, v0  }
0x27: {  	v3 =	vmul.f32 v6, v0;
	[tilespmem:s16+$0x430] =	vst v2;
	v2 =	vld [tilespmem:s16+$0x4A0]  }
0x28: {  	v4 =	vmul.f32 v7, v0;
	[tilespmem:s16+$0x440] =	vst v1;
	v1 =	vld [tilespmem:s16+$0x4B0]  }
0x29: {  	[tilespmem:s16+$0x450] =	vst v3;
	v3 =	vld [tilespmem:s16+$0x4C0];
	v5 =	vmul.f32 v8, v0  }
0x2a: {  	v7 =	vmul.f32 v9, v0;
	[tilespmem:s16+$0x460] =	vst v4;
	v4 =	vld [tilespmem:s16+$0x4D0]  }
0x2b: {  	s17 =	simm.s32 $0x400;
	v6 =	vmul.f32 v10, v0;
	[tilespmem:s16+$0x470] =	vst v5;
	v5 =	vld [tilespmem:s16+$0x4E0]  }
.LBB2_3:
0x2c: {  	s18 =	sshra.s32 s17, $0x2;
	p0 =	sne.s32 s17, $0x1FC00;
	[tilespmem:s16+$0x480] =	vst v7;
	v2 =	vmul.f32 v2, v0;
	v7 =	vld [tilespmem:s16+$0x4F0]  }
0x2d: {  	v8 =	vld [tilespmem:s18+$0x400];
	[tilespmem:s16+$0x490] =	vst v6;
	v1 =	vmul.f32 v1, v0  }
0x2e: {  	v6 =	vld [tilespmem:s18+$0x410];
	[tilespmem:s16+$0x4A0] =	vst v2;
	v2 =	vmul.f32 v3, v0  }
0x2f: {  	v3 =	vld [tilespmem:s18+$0x420];
	[tilespmem:s16+$0x4B0] =	vst v1;
	v1 =	vmul.f32 v4, v0  }
0x30: {  	v4 =	vld [tilespmem:s18+$0x430];
	[tilespmem:s16+$0x4C0] =	vst v2;
	v2 =	vmul.f32 v5, v0  }
0x31: {  	v5 =	vld [tilespmem:s18+$0x440];
	[tilespmem:s16+$0x4D0] =	vst v1;
	v1 =	vmul.f32 v7, v0  }
0x32: {  	v7 =	vmul.f32 v8, v0;
	v8 =	vld [tilespmem:s18+$0x450];
	[tilespmem:s16+$0x4E0] =	vst v2  }
0x33: {  	v2 =	vmul.f32 v6, v0;
	v6 =	vld [tilespmem:s18+$0x460];
	[tilespmem:s16+$0x4F0] =	vst v1;
	s16 =	smov.u32 s18  }
0x34: {  	[tilespmem:s16+$0x400] =	vst v7;
	v1 =	vmul.f32 v3, v0;
	v3 =	vld [tilespmem:s16+$0x470]  }
0x35: {  	[tilespmem:s16+$0x410] =	vst v2;
	v2 =	vmul.f32 v4, v0;
	v4 =	vld [tilespmem:s16+$0x480]  }
0x36: {  	[tilespmem:s16+$0x420] =	vst v1;
	v1 =	vmul.f32 v5, v0;
	v5 =	vld [tilespmem:s16+$0x490]  }
.Ltmp0:
0x37: {  	[tilespmem:s16+$0x430] =	vst v2;
	v7 =	vmul.f32 v8, v0;
	v2 =	vld [tilespmem:s16+$0x4A0];
	(pc) =	sbr.rel @p0 .LBB2_3-.Ltmp0, $4  }
0x38: {  	[tilespmem:s16+$0x440] =	vst v1;
	v6 =	vmul.f32 v6, v0;
	v1 =	vld [tilespmem:s16+$0x4B0]  }
0x39: {  	[tilespmem:s16+$0x450] =	vst v7;
	v8 =	vmul.f32 v3, v0;
	v3 =	vld [tilespmem:s16+$0x4C0]  }
0x3a: {  	[tilespmem:s16+$0x460] =	vst v6;
	v7 =	vmul.f32 v4, v0;
	v4 =	vld [tilespmem:s16+$0x4D0]  }
0x3b: {  	s17 =	sadd.s32 $0x400, s17;
	[tilespmem:s16+$0x470] =	vst v8;
	v6 =	vmul.f32 v5, v0;
	v5 =	vld [tilespmem:s16+$0x4E0]  }
0x3c: {  	[tilespmem:s16+$0x480] =	vst v7;
	v2 =	vmul.f32 v2, v0;
	v63 =	vld [tilespmem:s16+$0x4F0]  }
0x3d: {  	[tilespmem:s16+$0x490] =	vst v6;
	v1 =	vmul.f32 v1, v0  }
0x3e: {  	[tilespmem:s16+$0x4A0] =	vst v2;
	v2 =	vmul.f32 v3, v0  }
0x3f: {  	[tilespmem:s16+$0x4B0] =	vst v1;
	v1 =	vmul.f32 v4, v0  }
0x40: {  	[tilespmem:s16+$0x4C0] =	vst v2;
	v2 =	vmul.f32 v5, v0  }
0x41: {  	s14 =	sadd.s32 $0x1, s14;
	[tilespmem:s16+$0x4D0] =	vst v1;
	v1 =	vmul.f32 v63, v0  }
0x42: {  	s15 =	sshll.u32 s15, $0x2;
	p0 =	sne.s32 s14, $0x64;
	[tilespmem:s16+$0x4E0] =	vst v2  }
.Ltmp1:
0x43: {  	s15 =	sadd.s32 s1, s15;
	[tilespmem:s16+$0x4F0] =	vst v1;
	(pc) =	sbr.rel @p0 .LBB2_2-.Ltmp1, $4  }
0x44: {  	[hbm4b:s15+s3] =	stream.linear.scatter [tilespmem:s11], [sflag:$0x2], $0x8000, $0x38;
	[tilespmem:$0x8410] =	vst v63  }
0x45: {  	_ =	swait.ge [sflag:s10], $0x8000  }
0x46: {  	[sflag:s10] =	ssyncset.done $0x0  }
0x47: {  	[sflag:s10] =	ssyncadd.s32 $0xFFFF8000  }
0x48: {  	s13 =	sadd.s32 $0x1, s13  }
0x49: {  	p0 =	sne.s32 s13, s8  }
.Ltmp2:
0x4a: {  	_ = 	snop;
	(pc) =	sbr.rel @p0 .LBB2_1-.Ltmp2, $1  }
0x4b: {  	_ =	sdelay $0x3  }
0x4c: {  	_ =	sfence.sel $0x180000  }
0x4d: {  	[bflag:$0x0] =	sbarrier.arrive $0xFFFF  }
0x4e: {  	p0 =	sne.s32 s2, $0x0;
	_ =	strace $0x90000047  }
0x4f: {  	s0 =	sadd.s32 @!p0 $0x100000, s0;
	[bflag:$0x2] =	sbarrier.arrive $0xFFFF  }
0x50: {  	[sflag:s0] =	ssyncadd.tile.s32 @!p0 $0x1;
	_ =	shalt  }
.Lfunc_end2:
_tile_overlayer_lowered:
.L_overlay_start_2:
0x51: {  	(tag) =	ssettag $0x2  }
0x52: {  	s0 =	rddreg [dreg:$0x0];
	s2 =	stileid.u32  }
0x53: {  	s1 =	rddreg [dreg:$0x1];
	p0 =	sne.s32 s2, $0x0  }
0x54: {  	s3 =	rddreg [dreg:$0x2];
	[bflag:$0x3] =	sbarrier.arrive $0xFFFF;
	s2 =	simm.s32 @!p0 $0x1C02  }
0x55: {  	[timem:s3], [sflag:s2] =	dma.local @!p0 [hbm:s0], s1  }
0x56: {  	s0 =	simm.s32 @!p0 $0x2  }
0x57: {  	_ =	swait.ge @!p0 [sflag:s0], s1  }
0x58: {  	s1 =	ssub.s32 @!p0 $0x0, s1;
	[sflag:s0] =	ssyncset.done @!p0 $0x0  }
0x59: {  	[sflag:s0] =	ssyncadd.s32 @!p0 s1  }
0x5a: {  	[bflag:$0x3] =	sbarrier.arrive $0xFFFF  }
0x5b: {  	_ =	shalt  }

// kernel: sparse-core-data-format-call.cloned.1.call-start
scs
called_computation_lowered:
.L_overlay_start_0:
0x0: {  	s2 =	sld [smem:$0x3FD9]  }
0x1: {  	s3 =	sld [smem:$0x3FFE];
	_ =	sdelay $0x1  }
0x2: {  	s1 =	srdreg.scid  }
0x3: {  	s0 =	sand.u32 $0x1, s1  }
0x4: {  	s18 =	sshll.u32 s0, $0xA;
	s2 =	sadd.s32 s3, s2  }
0x5: {  	s2 =	sadd.s32 s2, s18  }
0x6: {  	[smem:$0x3FC6] =	sst s2  }
0x7: {  	_ = 	snop  }
0x8: {  	s2 =	sld [smem:$0x3FD0];
	(tm) =	ssettm $0x1  }
0x9: {  	s19 =	sld [smem:$0x3FFB];
	_ =	sdelay $0x3  }
0xa: {  	_ =	strace s19  }
0xb: {  	s3 =	sld [smem:$0x3FFC];
	_ =	sdelay $0x3  }
0xc: {  	_ =	strace s3  }
0xd: {  	s3 =	sld [smem:$0x3FFD];
	_ =	sdelay $0x3  }
0xe: {  	_ =	strace s3  }
0xf: {  	_ =	strace $0x8FFFFFFF  }
0x10: {  	s20 =	sld [smem:$0x3FDB];
	_ =	sdelay $0x1  }
0x11: {  	s4 =	simm.s32 $_scs_section_size  }
0x12: {  	s5 =	simm.s32 $_size__tile_overlayer_lowered;
	s6 =	simm.s32 $_tile_overlayer_lowered  }
0x13: {  	s23 =	simm.s32 $0x1BFF;
	s22 =	sshll.u32 s6, $0x1;
	s3 =	sadd.s32 s4, s20  }
0x14: {  	s7 =	simm.s32 $0x0;
	s21 =	sshll.u32 s5, $0x1;
	s5 =	sadd.s32 s22, s3  }
0x15: {  	[timem:s7], [sflag:s23] =	dma.local [hbm:s5], s21  }
0x16: {  	_ =	swait.ge [sflag:s23], s21  }
0x17: {  	s4 =	ssub.s32 $0x0, s21;
	[sflag:s23] =	ssyncset.done $0x0  }
0x18: {  	[sflag:s23] =	ssyncadd.s32 s4;
	_ =	sdelay $0x1  }
0x19: {  	s24 =	simm.s32 $0x1B8B  }
0x1a: {  	_ =	swait.ge [sflag:s24], $0x1  }
0x1b: {  	[sflag:s24] =	ssyncset.done $0x0  }
0x1c: {  	s26 =	simm.s32 $0x1B8E;
	s25 =	sld [smem:$0x3FFE];
	[sflag:s24] =	ssyncadd.s32 $0xFFFFFFFF  }
0x1d: {  	s27 =	simm.s32 $execute0_lowered;
	[smem:$0x3FD2] =	sst s26  }
0x1e: {  	s5 =	sshll.u32 s27, $0x1;
	_ =	strace $0x80000049;
	[dreg:$0x1] =	wrdreg $0xFFFFFFFF  }
0x1f: {  	s28 =	simm.s32 $_size_execute0_lowered;
	s3 =	sadd.s32 s3, s5;
	[dreg:$0x0] =	wrdreg $0x0  }
0x20: {  	s5 =	sshll.u32 s28, $0x1;
	[dreg:$0x2] =	wrdreg s3  }
0x21: {  	[dreg:$0x3] =	wrdreg s5  }
0x22: {  	[dreg:$0x4] =	wrdreg $0xC0  }
0x23: {  	_ =	task [dreg:s7], $0x5FFFF  }
0x24: {  	[dreg:$0x1] =	wrdreg $0xFFFFFFFF  }
0x25: {  	[dreg:$0x0] =	wrdreg $0x60  }
0x26: {  	[dreg:$0x2] =	wrdreg s25  }
0x27: {  	[dreg:$0x3] =	wrdreg s2  }
0x28: {  	[dreg:$0x4] =	wrdreg $0x9  }
0x29: {  	_ =	task.clear_ibuf [dreg:s7], $0x5FFFF;
	_ =	strace $0x90000049  }
0x2a: {  	s29 =	simm.s32 $0x9;
	_ =	strace $0x8000004B  }
0x2b: {  	_ =	swait.ge [sflag:s29], $0x1  }
0x2c: {  	[sflag:s29] =	ssyncadd.s32 $0xFFFFFFFF  }
0x2d: {  	_ =	strace $0x9000004B  }
0x2e: {  	_ =	sfence  }
0x2f: {  	s30 =	sld [smem:$0x0];
	_ =	sdelay $0x2  }
0x30: {  	s31 =	sshll.u32 s1, $0xD;
	s1 =	sshrl.u32 s1, $0x2  }
0x31: {  	s3 =	sand.u32 $0x4000, s31;
	s1 =	sadd.s32 s1, s30  }
0x32: {  	s0 =	sor.u32 s3, s0;
	s1 =	sshll.u32 s1, $0x11  }
0x33: {  	s0 =	sor.u32 s1, s0  }
0x34: {  	s0 =	sadd.s32 $0x8F2B, s0  }
0x35: {  	[sflag:s0] =	ssyncadd.remote.s32 $0x1  }
0x36: {  	_ =	sfence.sel $0xFFFF  }
0x37: {  	[dreg:$0x0] =	wrdreg $0xFFFFFFFF;
	(pc) =	sbr.abs _section_cstart, $3  }
0x38: {  	[dreg:$0x1] =	wrdreg $0xFFFFFFFF  }
0x39: {  	_ =	task.clear_ibuf [dreg:s7], $0x2FFFF;
	_ =	strace $0x9FFFFFFF  }
0x3a: {  	(tm) =	ssettm $0x7FFFFFFF  }
0x3b: {  	_ =	shalt  }
tec
execute0_lowered:
.L_overlay_start_1:
0x0: {  	(tag) =	ssettag $0x1  }
0x1: {  	s0 =	srdreg.scid  }
0x2: {  	s1 =	sshll.u32 s0, $0x4  }
0x3: {  	s0 =	stileid.u32;
	s1 =	sand.u32 $0x10, s1  }
0x4: {  	s1 =	sor.u32 s0, s1  }
0x5: {  	s6 =	rddreg [dreg:$0x0];
	s4 =	simm.s32 $0x1;
	s2 =	sshll.u32 s1, $0x7  }
0x6: {  	s7 =	simm.s32 $0x2;
	s12 =	simm.s32 $0x0;
	s1 =	ssub.s32 $0x4000, s2  }
0x7: {  	s8 =	simm.s32 $0x20000;
	s13 =	simm.s32 $0x0;
	s3 =	sand.u32 $0xF80, s1  }
0x8: {  	s9 =	simm.s32 $0x0;
	s5 =	sshrl.u32 s1, $0xC;
	p0 =	sne.s32 s3, $0x0  }
.Ltmp0:
0x9: {  	s1 =	rddreg [dreg:$0x2];
	s4 =	simm.s32 @!p0 $0x0;
	(pc) =	sbr.rel .LBB1_1-.Ltmp0, $4  }
0xa: {  	s11 =	simm.s32 $0x0;
	s3 =	rddreg [dreg:$0x1];
	s5 =	sadd.s32 s4, s5  }
0xb: {  	_ =	strace $0x8000004A;
	s4 =	simm.s32 $0x1;
	s5 =	smul.u32 $0xC8, s5  }
0xc: {  	s6 =	sadd.s32 $0x800, s6;
	s10 =	smov.u32 s2;
	[sflag:s4] =	ssyncpa.u1 $0x0  }
0xd: {  	p0 =	por $0x0, $0x0;
	[sflag:s7] =	ssyncpa.u1 $0x0;
	s7 =	sor.u32 $0x1, s5  }
.LBB1_4:
0xe: {  	s16 =	sshll.u32 s13, $0x3;
	s17 =	sand.u32 $0x78, s13  }
0xf: {  	s30 =	sand.u32 $0xF800, s13;
	s12 =	sshll.u32 s12, $0x10;
	s16 =	sand.u32 $0x3C00, s16  }
0x10: {  	s31 =	sand.u32 $0x7, s13;
	s16 =	sor.u32 s17, s16;
	s17 =	sadd.s32 s3, s30  }
0x11: {  	s13 =	sshll.u32 s31, $0x12;
	s16 =	sshrl.u32 s16, $0x3;
	s12 =	sadd.s32 s12, s17  }
0x12: {  	[tilespmem:s15+$0x0 ss:$0x81] =	vst.msk $0xffff, v0;
	s13 =	sor.u32 $0x400, s13;
	s12 =	sadd.s32 s16, s12  }
0x13: {  	[hbm4b:s12+s13] =	stream.strided.scatter [tilespmem:s14], [sflag:$0x2], $0x1000, s8, s13, $0x20;
	[tilespmem:$0x4040] =	vst v63  }
.LBB1_5:
0x14: {  	s14 =	sadd.s32 $0x1, s9  }
0x15: {  	s12 =	sadd.s32 $0x1000, s10;
	s16 =	smov.u32 s10;
	p2 =	sgt.s32 s14, $0xC7  }
0x16: {  	s16 =	smov.u32 @p2 s12  }
0x17: {  	s14 =	simm.s32 @p2 $0x0;
	p2 =	sgt.s32 s16, $0x3FFF  }
0x18: {  	s16 =	smov.u32 @p2 s2;
	p2 =	sne.s32 s11, s7  }
.Ltmp1:
0x19: {  	p1 =	slt.u32 s11, $0x2;
	(pc) =	sbr.rel @!p2 .LBB1_6-.Ltmp1, $4  }
0x1a: {  	s15 =	simm.s32 @!p1 $0x2  }
0x1b: {  	s13 =	smov.u32 s10;
	p0 =	por !p0, !p0;
	_ =	swait.ge @!p1 [sflag:s15], $0x1000  }
0x1c: {  	s12 =	smov.u32 s9;
	[sflag:s15] =	ssyncset.done @!p1 $0x0;
	s9 =	smov.u32 s14  }
0x1d: {  	s11 =	sadd.s32 $0x1, s11;
	[sflag:s15] =	ssyncadd.s32 @!p1 $0xFFFFF000;
	s10 =	smov.u32 s16  }
.LBB1_1:
0x1e: {  	p1 =	sge.u32 s11, s5  }
0x1f: {  	s14 =	sand.u32 @!p1 $0x1FFFFFF, s9  }
0x20: {  	s15 =	smulhi.u32 @!p1 $0x147AE15, s14;
	_ =	sdelay $0x1  }
0x21: {  	s15 =	smul.u32 @!p1 $0xC8, s15  }
0x22: {  	s16 =	sxor.u32 @!p1 $0xFFFFFFFF, s11;
	s17 =	smul.u32 @!p1 $0xC80, s10  }
0x23: {  	s31 =	sadd.s32 $0xFFFFFFFF, s11;
	s16 =	sshll.u32 @!p1 s16, $0xC;
	s14 =	ssub.s32 @!p1 s14, s15  }
0x24: {  	s15 =	sand.u32 @!p1 $0x1000, s16;
	s16 =	sadd.s32 @!p1 s6, s17;
	s14 =	sshll.u32 @!p1 s14, $0x4  }
0x25: {  	s17 =	simm.s32 @!p1 $0x6400;
	s14 =	sadd.s32 @!p1 s14, s16;
	s16 =	simm.s32 @!p1 $0x20  }
0x26: {  	[tilespmem:s15], [sflag:$0x1] =	stream.strided.gather @!p1 [hbm4b:s14+s16], $0x1000, s17, s16, $0x38;
	[tilespmem:$0x4040] =	vst v63  }
0x27: {  	p1 =	sge.u32 s31, s5  }
.Ltmp2:
0x28: {  	_ = 	snop;
	(pc) =	sbr.rel @p1 .LBB1_5-.Ltmp2, $1  }
0x29: {  	_ =	sdelay $0x3  }
0x2a: {  	s14 =	simm.s32 $0x1  }
0x2b: {  	_ =	swait.ge [sflag:s4], $0x1000;
	s14 =	simm.s32 @!p0 $0x0  }
0x2c: {  	[sflag:s4] =	ssyncset.done $0x0;
	s15 =	sshll.u32 s14, $0xC  }
0x2d: {  	[sflag:s4] =	ssyncadd.s32 $0xFFFFF000;
	s18 =	sor.u32 $0x10, s15  }
0x2e: {  	s14 =	smul.u32 $0x4080, s14;
	v1 =	vld [tilespmem:s18+$0x0]  }
0x2f: {  	s30 =	sand.u32 $0x1, s11;
	v0 =	vld [tilespmem:s18+$0xFFFFFFF0]  }
0x30: {  	s15 =	smul.u32 $0x4080, s30;
	s14 =	sshrl.u32 s14, $0x2  }
0x31: {  	s16 =	sor.u32 $0x2000, s14  }
0x32: {  	s31 =	sshrl.u32 s15, $0x2;
	s15 =	sadd.s32 $0x0, s16  }
0x33: {  	s17 =	simm.s32 $0x4;
	s18 =	sadd.s32 $0x20, s18;
	s14 =	sor.u32 $0x2000, s31;
	[tilespmem:s15+$0x810 ss:$0x81] =	vst.msk $0xffff, v1  }
.LBB1_3:
0x34: {  	v1 =	vld [tilespmem:s18+$0x0];
	p1 =	sne.s32 s17, $0x1FC;
	[tilespmem:s15+$0x0 ss:$0x81] =	vst.msk $0xffff, v0;
	s15 =	smov.u32 s17;
	s17 =	sadd.s32 $0x4, s17  }
.Ltmp3:
0x35: {  	v0 =	vld [tilespmem:s18+$0xFFFFFFF0];
	(pc) =	sbr.rel @p1 .LBB1_3-.Ltmp3, $4  }
0x36: {  	_ = 	snop  }
0x37: {  	s15 =	sshra.s32 s15, $0x2  }
0x38: {  	s15 =	sadd.s32 s15, s16  }
0x39: {  	s18 =	sadd.s32 $0x20, s18;
	[tilespmem:s15+$0x810 ss:$0x81] =	vst.msk $0xffff, v1  }
.Ltmp4:
0x3a: {  	_ = 	snop;
	(pc) =	sbr.rel .LBB1_4-.Ltmp4, $1  }
0x3b: {  	_ =	sdelay $0x3  }
.LBB1_6:
0x3c: {  	_ =	sfence.sel $0x180000  }
0x3d: {  	s2 =	simm.s32 $0x1;
	[bflag:$0x0] =	sbarrier.arrive $0xFFFF  }
0x3e: {  	s31 =	simm.s32 $0x2;
	[sflag:s2] =	ssyncpa.u1 $0x1  }
0x3f: {  	[sflag:s31] =	ssyncpa.u1 $0x1  }
0x40: {  	p0 =	sne.s32 s0, $0x0;
	_ =	strace $0x9000004A  }
0x41: {  	s0 =	sadd.s32 @!p0 $0x100000, s1;
	[bflag:$0x2] =	sbarrier.arrive $0xFFFF  }
0x42: {  	[sflag:s0] =	ssyncadd.tile.s32 @!p0 $0x1;
	_ =	shalt  }
.Lfunc_end1:
_tile_overlayer_lowered:
.L_overlay_start_2:
0x43: {  	(tag) =	ssettag $0x2  }
0x44: {  	s0 =	rddreg [dreg:$0x0];
	s2 =	stileid.u32  }
0x45: {  	s1 =	rddreg [dreg:$0x1];
	p0 =	sne.s32 s2, $0x0  }
0x46: {  	s3 =	rddreg [dreg:$0x2];
	[bflag:$0x3] =	sbarrier.arrive $0xFFFF;
	s2 =	simm.s32 @!p0 $0x1C01  }
0x47: {  	[timem:s3], [sflag:s2] =	dma.local @!p0 [hbm:s0], s1  }
0x48: {  	s0 =	simm.s32 @!p0 $0x1  }
0x49: {  	_ =	swait.ge @!p0 [sflag:s0], s1  }
0x4a: {  	s1 =	ssub.s32 @!p0 $0x0, s1;
	[sflag:s0] =	ssyncset.done @!p0 $0x0  }
0x4b: {  	[sflag:s0] =	ssyncadd.s32 @!p0 s1  }
0x4c: {  	[bflag:$0x3] =	sbarrier.arrive $0xFFFF  }
0x4d: {  	_ =	shalt  }

</sc_bundles>
